<compile_context>
chip_gen: v7x
topology: tpu7x:2x2x1
jax: 0.10.2.dev20260603
libtpu: 0.0.44.dev20260713+nightly
codegen_flags: <defaults>
</compile_context>

<pallas_src>
import functools

import jax
import jax.numpy as jnp
from jax import lax
from jax.experimental import pallas as pl
from jax.experimental.pallas import tpu as pltpu
from jax.experimental.pallas import tpu_sc as plsc

_L = 16
_CP = 128
_CELL = 256


def _sc_gather(table, comb, NR, hgrid, wgrid):
    n_chunks = NR // _L
    mesh = plsc.VectorSubcoreMesh(core_axis_name="c", subcore_axis_name="s",
                                  num_cores=1)
    n_sub = mesh.num_subcores

    @functools.partial(
        pl.kernel,
        out_type=jax.ShapeDtypeStruct((NR, _CP), jnp.float32),
        mesh=mesh,
        scratch_types=[
            pltpu.VMEM((8, _L), jnp.float32),
            pltpu.VMEM((_L,), jnp.int32),
            pltpu.VMEM((_L, _CP), jnp.float32),
            pltpu.SemaphoreType.DMA,
        ],
    )
    def gather_k(table_hbm, comb_hbm, out_hbm, comb_v, idx_v, rows_v, sem):
        wid = lax.axis_index("c") * n_sub + lax.axis_index("s")

        @pl.when(wid < n_chunks)
        def _():
            cbase = pl.multiple_of(wid * 8, 8)
            pltpu.sync_copy(comb_hbm.at[pl.ds(cbase, 8)], comb_v)
            bxv = comb_v[0]
            byv = comb_v[1]
            basev = comb_v[2].astype(jnp.int32)
            yv = (byv * jnp.float32(hgrid)).astype(jnp.int32)
            xv = (bxv * jnp.float32(wgrid)).astype(jnp.int32)
            idx_v[...] = basev + yv * wgrid + xv
            pltpu.async_copy(table_hbm.at[idx_v], rows_v, sem).wait()
            rbase = pl.multiple_of(wid * _L, _L)
            pltpu.sync_copy(rows_v, out_hbm.at[pl.ds(rbase, _L)])

    return gather_k(table, comb)


def _loss_body(NR, NJ, NC, hgrid, wgrid, g_ref, pk_ref, c_ref, o_ref):
    g = g_ref[...]
    pk = pk_ref[...]
    lobj, lbox, lclass = c_ref[0], c_ref[1], c_ref[2]

    bx, by = pk[:, 0:1], pk[:, 1:2]
    bw, bh = pk[:, 2:3], pk[:, 3:4]
    aw, ah = pk[:, 4:5], pk[:, 5:6]
    labf = pk[:, 6:7]
    hf = jnp.float32(hgrid)
    wf = jnp.float32(wgrid)
    yf = jnp.floor(by * hf)
    xf = jnp.floor(bx * wf)
    cellc = yf * wf + xf

    cellcol = lax.broadcasted_iota(jnp.int32, (NR, _CELL), 1)
    oh = (cellcol == cellc.astype(jnp.int32)).astype(jnp.float32)
    eq = lax.dot_general(oh, oh, (((1,), (1,)), ((), ())),
                         preferred_element_type=jnp.float32)
    jr = lax.broadcasted_iota(jnp.int32, (NR, NR), 0) % NJ
    jc = lax.broadcasted_iota(jnp.int32, (NR, NR), 1) % NJ
    clash = jnp.logical_and(eq > 0.0, jc < jr)
    free = 1.0 - jnp.max(clash.astype(jnp.float32), axis=1, keepdims=True)

    xrel = (bx - xf / wf) * wf
    yrel = (by - yf / hf) * hf
    wc = bw / aw
    hc = bh / ah

    col = lax.broadcasted_iota(jnp.int32, (NR, _CP), 1)
    z0 = jnp.sum(jnp.where(col == 0, g, 0.0), axis=1, keepdims=True)
    t = -z0
    obj = jnp.maximum(t, 0.0) + jnp.log1p(jnp.exp(-jnp.abs(t)))
    tgt = (jnp.where(col == 1, xrel, 0.0) + jnp.where(col == 2, yrel, 0.0)
           + jnp.where(col == 3, wc, 0.0) + jnp.where(col == 4, hc, 0.0))
    boxmask = jnp.logical_and(col >= 1, col <= 4)
    mse = jnp.sum(jnp.where(boxmask, (g - tgt) ** 2, 0.0),
                  axis=1, keepdims=True) * 0.25
    cmask = jnp.logical_and(col >= 5, col < 5 + NC)
    m = jnp.max(jnp.where(cmask, g, jnp.float32(-1e30)), axis=1, keepdims=True)
    se = jnp.sum(jnp.where(cmask, jnp.exp(g - m), 0.0), axis=1, keepdims=True)
    lse = m + jnp.log(se)
    zlab = jnp.sum(jnp.where(col == labf.astype(jnp.int32) + 5, g, 0.0),
                   axis=1, keepdims=True)
    ce = lse - zlab

    per_row = lobj * obj + lbox * mse + lclass * ce
    o_ref[0, 0] = jnp.sum(free * per_row)


def kernel(X, yboxes, ylabels, anchors, nclasses, iou_thresh, lclass, lnoobj,
           lobj, lbox):
    B, A, H, W, C = X.shape
    hgrid = H
    wgrid = A
    NB = yboxes.shape[1]
    NJ = B * NB
    NR = A * NJ
    NC = C - 5
    n_chunks = NR // _L

    table = X[:, :, :, :wgrid, :].reshape(B * A * hgrid * wgrid, C)
    table = jnp.concatenate(
        [table, jnp.zeros((table.shape[0], _CP - C), jnp.float32)], axis=1)
    boxes = yboxes.reshape(NJ, 4)
    bx = boxes[:, 0]
    by = boxes[:, 1]

    ja = jnp.arange(NR, dtype=jnp.int32)
    av = ja // NJ
    bv = (ja % NJ) // NB
    basev = (bv * A + av) * (hgrid * wgrid)
    basef = basev.astype(jnp.float32)
    comb = jnp.concatenate(
        [jnp.tile(bx, A).reshape(n_chunks, 1, _L),
         jnp.tile(by, A).reshape(n_chunks, 1, _L),
         basef.reshape(n_chunks, 1, _L),
         jnp.zeros((n_chunks, 5, _L), jnp.float32)], axis=1
    ).reshape(n_chunks * 8, _L)

    G = _sc_gather(table, comb, NR, hgrid, wgrid)

    labf = ylabels.reshape(NJ).astype(jnp.float32)
    PK = jnp.concatenate(
        [jnp.tile(boxes, (A, 1)),
         jnp.repeat(anchors.astype(jnp.float32), NJ, axis=0),
         jnp.tile(labf, A)[:, None],
         jnp.zeros((NR, 1), jnp.float32)], axis=1)
    coef = jnp.stack([jnp.float32(lobj), jnp.float32(lbox),
                      jnp.float32(lclass), jnp.float32(0.0)])

    body = functools.partial(_loss_body, NR, NJ, NC, hgrid, wgrid)
    loss = pl.pallas_call(
        body,
        out_shape=jax.ShapeDtypeStruct((1, 1), jnp.float32),
        in_specs=[
            pl.BlockSpec(memory_space=pltpu.VMEM),
            pl.BlockSpec(memory_space=pltpu.VMEM),
            pl.BlockSpec(memory_space=pltpu.SMEM),
        ],
        out_specs=pl.BlockSpec(memory_space=pltpu.SMEM),
    )(G, PK, coef)
    return loss.reshape(1)

# --- scband reference (transcript-rebuilt; emitter-appended) ---
"""Pipeline reference for scband-yolo-loss-9045201125686 (READ-ONLY COPY).

The authoritative reference and input builder live on the scoring server;
editing this copy changes nothing except your own understanding.
"""

import jax, jax.numpy as jnp
import numpy as np


def _iouwh_np(wh, anchors):
    # width/height IoU (iouwh was undefined in the source; standard definition)
    inter = jnp.minimum(wh[0], anchors[:, 0]) * jnp.minimum(wh[1], anchors[:, 1])
    union = wh[0] * wh[1] + anchors[:, 0] * anchors[:, 1] - inter
    return inter / union


def setup_inputs(seed=0):
    key = jax.random.key(seed)
    k1, k2, k3, k4 = jax.random.split(key, 4)
    B, A, H, W, NC, NB = 8, 3, 52, 52, 80, 10
    X = jax.random.normal(k1, (B, A, H, W, 5 + NC), dtype=jnp.float32)
    yboxes = jax.random.uniform(k2, (B, NB, 4), dtype=jnp.float32, minval=0.02, maxval=0.98)
    ylabels = jax.random.randint(k3, (B, NB), 0, NC)
    anchors = jax.random.uniform(k4, (A, 2), dtype=jnp.float32, minval=0.1, maxval=1.0)
    return {"X": X, "yboxes": yboxes, "ylabels": ylabels, "anchors": anchors, "nclasses": NC,
            "iou_thresh": jnp.float32(0.5), "lclass": jnp.float32(1.0),
            "lnoobj": jnp.float32(10.0), "lobj": jnp.float32(1.0), "lbox": jnp.float32(10.0)}


def reference(X, yboxes, ylabels, anchors, nclasses, iou_thresh=0.5,
              lclass=1.0, lnoobj=10.0, lobj=1.0, lbox=10.0):
    # faithful to the torch forward (original wgrid bug kept: wgrid = X.shape[-4],
    # which is the anchor dim). Dead no-obj / print code omitted; original returns
    # None, we return the accumulated loss tensor of shape (1,).
    hgrid = X.shape[-3]
    wgrid = X.shape[-4]
    A = anchors.shape[0]
    taken = jnp.zeros((A, hgrid, wgrid), dtype=jnp.float32)  # shared across batch, as in source
    loss = jnp.zeros((1,), dtype=jnp.float32)
    for b in range(X.shape[0]):
        pred = X[b]
        for i in range(yboxes.shape[1]):
            box = yboxes[b, i]
            lab = ylabels[b, i]
            y = jnp.floor(box[1] * hgrid).astype(jnp.int32)
            x = jnp.floor(box[0] * wgrid).astype(jnp.int32)
            yrel = (box[1] - y / hgrid) * hgrid
            xrel = (box[0] - x / wgrid) * wgrid
            iou = _iouwh_np(box[2:4], anchors)
            order = jnp.argsort(-iou)  # descending, no break, as in source
            for rank in range(A):
                anch = order[rank]
                free = taken[anch, y, x] == 0
                taken = taken.at[anch, y, x].set(1.0)
                # BCEWithLogitsLoss(pred_obj, 1.0) over single element
                z = pred[anch, y, x, 0]
                loss = loss + jnp.where(free, lobj * jax.nn.softplus(-z), jnp.float32(0.0))
                # MSE to detached target vector
                w_coeff = box[2] / anchors[anch, 0]
                h_coeff = box[3] / anchors[anch, 1]
                tgt = jnp.stack([xrel, yrel, w_coeff, h_coeff]).astype(jnp.float32)
                loss = loss + jnp.where(free, lbox * jnp.mean((pred[anch, y, x, 1:5] - tgt) ** 2), jnp.float32(0.0))
                # CrossEntropyLoss with one-hot soft target == NLL of log_softmax
                logits = pred[anch, y, x, 5:]
                loss = loss + jnp.where(free, lclass * (-jax.nn.log_softmax(logits)[lab]), jnp.float32(0.0))
    return loss

if __name__ == "__main__":
    import jax
    _d = setup_inputs()
    print(jax.jit(kernel)(*tuple(_d.values())))

</pallas_src>

<mosaic_0001>
#map = affine_map<(d0, d1) -> (0, 0)>
module attributes {stable_mosaic.version = 14 : i64} {
  func.func @gather_k(%arg0: i32, %arg1: i32, %arg2: memref<3744x128xf32, #tpu.memory_space<hbm>>, %arg3: memref<120x16xf32, #tpu.memory_space<hbm>>, %arg4: memref<240x128xf32, #tpu.memory_space<hbm>>, %arg5: memref<8x16xf32, #tpu.memory_space<vmem>>, %arg6: memref<16xi32, #tpu.memory_space<vmem>>, %arg7: memref<16x128xf32, #tpu.memory_space<vmem>>, %arg8: memref<!tpu.dma_semaphore, #tpu.memory_space<semaphore_mem>>) attributes {dimension_semantics = [#tpu.dimension_semantics<core_parallel>, #tpu.dimension_semantics<subcore_parallel>], iteration_bounds = array<i64: 1, 16>, scalar_prefetch = 0 : i64, scratch_operands = 4 : i64, tpu.core_type = #tpu.core_type<sc_vector_subcore>, window_params = [{transform_indices = #map}, {transform_indices = #map}, {transform_indices = #map}]} {
    %mul3A = arith.constant 16 : i32
    %mul3A_0 = arith.muli %arg0, %mul3A : i32
    %add3A = arith.addi %mul3A_0, %arg1 : i32
    %lt3A = arith.constant 15 : i32
    %lt3A_1 = arith.cmpi slt, %add3A, %lt3A : i32
    %convert_element_type3A = arith.extui %lt3A_1 : i1 to i32
    %cond3A = arith.constant 0 : i32
    %cond3A_2 = arith.cmpi ne, %convert_element_type3A, %cond3A : i32
    scf.if %cond3A_2 {
      %mul3A_3 = arith.constant 8 : i32
      %mul3A_4 = arith.muli %add3A, %mul3A_3 : i32
      %multiple_of3A = tpu.assume_multiple %mul3A_4, 8 : i32
      "tpu.region"() ({
        %run_scoped3A = tpu.sem_alloc : memref<!tpu.dma_semaphore, #tpu.memory_space<semaphore_mem>>
        %dma_start3A_43 = arith.constant 0 : i32
        %dma_start3A_44 = tpu.memref_slice %arg3[%multiple_of3A, %dma_start3A_43] : memref<120x16xf32, #tpu.memory_space<hbm>> -> memref<8x16xf32, #tpu.memory_space<hbm>>
        %dma_start3A_45 = arith.constant 0 : i32
        %dma_start3A_46 = tpu.memref_slice %arg3[%multiple_of3A, %dma_start3A_45] : memref<120x16xf32, #tpu.memory_space<hbm>> -> memref<8x16xf32, #tpu.memory_space<hbm>>
        tpu.enqueue_dma source(%dma_start3A_46 : memref<8x16xf32, #tpu.memory_space<hbm>>) target(%arg5 : memref<8x16xf32, #tpu.memory_space<vmem>>) target_semaphore(%run_scoped3A : memref<!tpu.dma_semaphore, #tpu.memory_space<semaphore_mem>>)
        %dma_wait3A_47 = arith.constant 0 : i32
        %dma_wait3A_48 = tpu.memref_slice %arg3[%multiple_of3A, %dma_wait3A_47] : memref<120x16xf32, #tpu.memory_space<hbm>> -> memref<8x16xf32, #tpu.memory_space<hbm>>
        %dma_wait3A_49 = arith.constant 0 : i32
        %dma_wait3A_50 = tpu.memref_slice %arg3[%multiple_of3A, %dma_wait3A_49] : memref<120x16xf32, #tpu.memory_space<hbm>> -> memref<8x16xf32, #tpu.memory_space<hbm>>
        tpu.wait_dma2 semaphore(%run_scoped3A : memref<!tpu.dma_semaphore, #tpu.memory_space<semaphore_mem>>) src(%dma_wait3A_50 : memref<8x16xf32, #tpu.memory_space<hbm>>) dst(%arg5 : memref<8x16xf32, #tpu.memory_space<vmem>>)
        tpu.yield
      }) : () -> ()
      %get3A = arith.constant 0 : i32
      %get3A_5 = arith.index_cast %get3A : i32 to index
      %get3A_6 = arith.constant 0 : index
      %get3A_7 = tpu.vector_load %arg5[%get3A_5, %get3A_6] {strides = array<i32>} : memref<8x16xf32, #tpu.memory_space<vmem>>, vector<1x16xf32>,
      %get3A_8 = vector.shape_cast %get3A_7 : vector<1x16xf32> to vector<16xf32>
      %get3A_9 = arith.constant 1 : i32
      %get3A_10 = arith.index_cast %get3A_9 : i32 to index
      %get3A_11 = arith.constant 0 : index
      %get3A_12 = tpu.vector_load %arg5[%get3A_10, %get3A_11] {strides = array<i32>} : memref<8x16xf32, #tpu.memory_space<vmem>>, vector<1x16xf32>,
      %get3A_13 = vector.shape_cast %get3A_12 : vector<1x16xf32> to vector<16xf32>
      %get3A_14 = arith.constant 2 : i32
      %get3A_15 = arith.index_cast %get3A_14 : i32 to index
      %get3A_16 = arith.constant 0 : index
      %get3A_17 = tpu.vector_load %arg5[%get3A_15, %get3A_16] {strides = array<i32>} : memref<8x16xf32, #tpu.memory_space<vmem>>, vector<1x16xf32>,
      %get3A_18 = vector.shape_cast %get3A_17 : vector<1x16xf32> to vector<16xf32>
      %convert_element_type3A_19 = arith.fptosi %get3A_18 : vector<16xf32> to vector<16xi32>
      %mul3A_20 = arith.constant 5.200000e+01 : f32
      %mul3A_21 = vector.broadcast %mul3A_20 : f32 to vector<16xf32>
      %mul3A_22 = arith.mulf %get3A_13, %mul3A_21 : vector<16xf32>
      %convert_element_type3A_23 = arith.fptosi %mul3A_22 : vector<16xf32> to vector<16xi32>
      %mul3A_24 = arith.constant 3.000000e+00 : f32
      %mul3A_25 = vector.broadcast %mul3A_24 : f32 to vector<16xf32>
      %mul3A_26 = arith.mulf %get3A_8, %mul3A_25 : vector<16xf32>
      %convert_element_type3A_27 = arith.fptosi %mul3A_26 : vector<16xf32> to vector<16xi32>
      %mul3A_28 = arith.constant 3 : i32
      %mul3A_29 = vector.broadcast %mul3A_28 : i32 to vector<16xi32>
      %mul3A_30 = arith.muli %convert_element_type3A_23, %mul3A_29 : vector<16xi32>
      %add3A_31 = arith.addi %convert_element_type3A_19, %mul3A_30 : vector<16xi32>
      %add3A_32 = arith.addi %add3A_31, %convert_element_type3A_27 : vector<16xi32>
      %swap3A = arith.constant 0 : index
      %swap3A_33 = tpu.vector_load %arg6[%swap3A] {strides = array<i32>} : memref<16xi32, #tpu.memory_space<vmem>>, vector<16xi32>,
      %swap3A_34 = vector.shape_cast %swap3A_33 : vector<16xi32> to vector<16xi32>
      %swap3A_35 = vector.shape_cast %add3A_32 : vector<16xi32> to vector<16xi32>
      tpu.vector_store %arg6[%swap3A], %swap3A_35 {strides = array<i32>} : memref<16xi32, #tpu.memory_space<vmem>>, vector<16xi32>,
      %dma_start3A = arith.constant 0 : i32
      %dma_start3A_36 = arith.constant 0 : i32
      %dma_start3A_37 = tpu.memref_slice %arg2[%dma_start3A, %dma_start3A_36] : memref<3744x128xf32, #tpu.memory_space<hbm>> -> memref<3744x128xf32, #tpu.memory_space<hbm>>
      tpu.enqueue_indirect_dma source(%dma_start3A_37 : memref<3744x128xf32, #tpu.memory_space<hbm>>) target(%arg7 : memref<16x128xf32, #tpu.memory_space<vmem>>) offsets(%arg6 : memref<16xi32, #tpu.memory_space<vmem>>) semaphore(%arg8 : memref<!tpu.dma_semaphore, #tpu.memory_space<semaphore_mem>>)
      %dma_wait3A = arith.constant 0 : i32
      %dma_wait3A_38 = arith.constant 0 : i32
      %dma_wait3A_39 = tpu.memref_slice %arg2[%dma_wait3A, %dma_wait3A_38] : memref<3744x128xf32, #tpu.memory_space<hbm>> -> memref<3744x128xf32, #tpu.memory_space<hbm>>
      tpu.wait_indirect_dma semaphore(%arg8 : memref<!tpu.dma_semaphore, #tpu.memory_space<semaphore_mem>>) src(%dma_wait3A_39 : memref<3744x128xf32, #tpu.memory_space<hbm>>) dst(%arg7 : memref<16x128xf32, #tpu.memory_space<vmem>>)
      %mul3A_40 = arith.constant 16 : i32
      %mul3A_41 = arith.muli %add3A, %mul3A_40 : i32
      %multiple_of3A_42 = tpu.assume_multiple %mul3A_41, 16 : i32
      "tpu.region"() ({
        %run_scoped3A = tpu.sem_alloc : memref<!tpu.dma_semaphore, #tpu.memory_space<semaphore_mem>>
        %dma_start3A_43 = arith.constant 0 : i32
        %dma_start3A_44 = tpu.memref_slice %arg4[%multiple_of3A_42, %dma_start3A_43] : memref<240x128xf32, #tpu.memory_space<hbm>> -> memref<16x128xf32, #tpu.memory_space<hbm>>
        %dma_start3A_45 = arith.constant 0 : i32
        %dma_start3A_46 = tpu.memref_slice %arg4[%multiple_of3A_42, %dma_start3A_45] : memref<240x128xf32, #tpu.memory_space<hbm>> -> memref<16x128xf32, #tpu.memory_space<hbm>>
        tpu.enqueue_dma source(%arg7 : memref<16x128xf32, #tpu.memory_space<vmem>>) target(%dma_start3A_46 : memref<16x128xf32, #tpu.memory_space<hbm>>) target_semaphore(%run_scoped3A : memref<!tpu.dma_semaphore, #tpu.memory_space<semaphore_mem>>)
        %dma_wait3A_47 = arith.constant 0 : i32
        %dma_wait3A_48 = tpu.memref_slice %arg4[%multiple_of3A_42, %dma_wait3A_47] : memref<240x128xf32, #tpu.memory_space<hbm>> -> memref<16x128xf32, #tpu.memory_space<hbm>>
        %dma_wait3A_49 = arith.constant 0 : i32
        %dma_wait3A_50 = tpu.memref_slice %arg4[%multiple_of3A_42, %dma_wait3A_49] : memref<240x128xf32, #tpu.memory_space<hbm>> -> memref<16x128xf32, #tpu.memory_space<hbm>>
        tpu.wait_dma2 semaphore(%run_scoped3A : memref<!tpu.dma_semaphore, #tpu.memory_space<semaphore_mem>>) src(%arg7 : memref<16x128xf32, #tpu.memory_space<vmem>>) dst(%dma_wait3A_50 : memref<16x128xf32, #tpu.memory_space<hbm>>)
        tpu.yield
      }) : () -> ()
    } else {
    }
    return
  }
}

module attributes {stable_mosaic.version = 14 : i64} {
  func.func @_loss_body(%arg0: memref<240x128xf32, #tpu.memory_space<vmem>>, %arg1: memref<240x8xf32, #tpu.memory_space<vmem>>, %arg2: memref<4xf32, #tpu.memory_space<smem>>, %arg3: memref<1x1xf32, #tpu.memory_space<smem>>) attributes {dimension_semantics = [], scalar_prefetch = 0 : i64, scratch_operands = 0 : i64, tpu.core_type = #tpu.core_type<tc>} {
    %get3A = arith.constant 0 : index
    %get3A_0 = arith.constant 0 : index
    %get3A_1 = vector.load %arg0[%get3A, %get3A_0] : memref<240x128xf32, #tpu.memory_space<vmem>>, vector<240x128xf32>
    %get3A_2 = arith.constant 0 : index
    %get3A_3 = arith.constant 0 : index
    %get3A_4 = vector.load %arg1[%get3A_2, %get3A_3] : memref<240x8xf32, #tpu.memory_space<vmem>>, vector<240x8xf32>
    %get3A_5 = arith.constant 0 : index
    %get3A_6 = memref.load %arg2[%get3A_5] : memref<4xf32, #tpu.memory_space<smem>>
    %get3A_7 = arith.constant 1 : index
    %get3A_8 = memref.load %arg2[%get3A_7] : memref<4xf32, #tpu.memory_space<smem>>
    %get3A_9 = arith.constant 2 : index
    %get3A_10 = memref.load %arg2[%get3A_9] : memref<4xf32, #tpu.memory_space<smem>>
    %slice3A = vector.extract_strided_slice %get3A_4 {offsets = [0, 0], sizes = [240, 1], strides = [1, 1]} : vector<240x8xf32> to vector<240x1xf32>
    %slice3A_11 = vector.extract_strided_slice %get3A_4 {offsets = [0, 1], sizes = [240, 1], strides = [1, 1]} : vector<240x8xf32> to vector<240x1xf32>
    %slice3A_12 = vector.extract_strided_slice %get3A_4 {offsets = [0, 2], sizes = [240, 1], strides = [1, 1]} : vector<240x8xf32> to vector<240x1xf32>
    %slice3A_13 = vector.extract_strided_slice %get3A_4 {offsets = [0, 3], sizes = [240, 1], strides = [1, 1]} : vector<240x8xf32> to vector<240x1xf32>
    %slice3A_14 = vector.extract_strided_slice %get3A_4 {offsets = [0, 4], sizes = [240, 1], strides = [1, 1]} : vector<240x8xf32> to vector<240x1xf32>
    %slice3A_15 = vector.extract_strided_slice %get3A_4 {offsets = [0, 5], sizes = [240, 1], strides = [1, 1]} : vector<240x8xf32> to vector<240x1xf32>
    %slice3A_16 = vector.extract_strided_slice %get3A_4 {offsets = [0, 6], sizes = [240, 1], strides = [1, 1]} : vector<240x8xf32> to vector<240x1xf32>
    %mul3A = arith.constant 5.200000e+01 : f32
    %mul3A_17 = vector.broadcast %mul3A : f32 to vector<240x1xf32>
    %mul3A_18 = arith.mulf %slice3A_11, %mul3A_17 : vector<240x1xf32>
    %floor3A = math.floor %mul3A_18 : vector<240x1xf32>
    %mul3A_19 = arith.constant 3.000000e+00 : f32
    %mul3A_20 = vector.broadcast %mul3A_19 : f32 to vector<240x1xf32>
    %mul3A_21 = arith.mulf %slice3A, %mul3A_20 : vector<240x1xf32>
    %floor3A_22 = math.floor %mul3A_21 : vector<240x1xf32>
    %mul3A_23 = arith.constant 3.000000e+00 : f32
    %mul3A_24 = vector.broadcast %mul3A_23 : f32 to vector<240x1xf32>
    %mul3A_25 = arith.mulf %floor3A, %mul3A_24 : vector<240x1xf32>
    %add3A = arith.addf %mul3A_25, %floor3A_22 : vector<240x1xf32>
    %iota3A = tpu.iota {dimensions = array<i32: 1>} : vector<240x256xi32>
    %convert_element_type3A = arith.fptosi %add3A : vector<240x1xf32> to vector<240x1xi32>
    %eq3A = vector.broadcast %convert_element_type3A : vector<240x1xi32> to vector<240x256xi32>
    %eq3A_26 = arith.cmpi eq, %iota3A, %eq3A : vector<240x256xi32>
    %convert_element_type3A_27 = arith.extui %eq3A_26 : vector<240x256xi1> to vector<240x256xi32>
    %convert_element_type3A_28 = arith.sitofp %convert_element_type3A_27 : vector<240x256xi32> to vector<240x256xf32>
    %dot_general3A = arith.constant dense<0.000000e+00> : vector<240x240xf32>
    %dot_general3A_29 = tpu.matmul %convert_element_type3A_28, %convert_element_type3A_28, %dot_general3A {dimension_numbers = #tpu.dot_dimension_numbers<[1], [1], [0], [0], [0, 0, 1, 0], [], []>, transpose_lhs_hint = false} : vector<240x256xf32>, vector<240x256xf32>, vector<240x240xf32> -> vector<240x240xf32>
    %iota3A_30 = tpu.iota {dimensions = array<i32: 0>} : vector<240x240xi32>
    %jit3A = arith.constant 80 : i32
    %eq3A_31 = arith.constant 0 : i32
    %eq3A_32 = arith.cmpi eq, %jit3A, %eq3A_31 : i32
    %jit3A_33 = arith.constant 1 : i32
    %select_n3A = arith.select %eq3A_32, %jit3A_33, %jit3A : i32
    %rem3A = vector.broadcast %select_n3A : i32 to vector<240x240xi32>
    %rem3A_34 = arith.remsi %iota3A_30, %rem3A : vector<240x240xi32>
    %ne3A = arith.constant 0 : i32
    %ne3A_35 = vector.broadcast %ne3A : i32 to vector<240x240xi32>
    %ne3A_36 = arith.cmpi ne, %rem3A_34, %ne3A_35 : vector<240x240xi32>
    %lt3A = arith.constant 0 : i32
    %lt3A_37 = vector.broadcast %lt3A : i32 to vector<240x240xi32>
    %lt3A_38 = arith.cmpi slt, %rem3A_34, %lt3A_37 : vector<240x240xi32>
    %lt3A_39 = arith.constant 0 : i32
    %lt3A_40 = arith.cmpi slt, %select_n3A, %lt3A_39 : i32
    %ne3A_41 = vector.broadcast %lt3A_40 : i1 to vector<240x240xi1>
    %ne3A_42 = vector.broadcast %ne3A_41 : vector<240x240xi1> to vector<240x240xi1>
    %ne3A_43 = arith.xori %lt3A_38, %ne3A_42 : vector<240x240xi1>
    %and3A = arith.andi %ne3A_43, %ne3A_36 : vector<240x240xi1>
    %add3A_44 = vector.broadcast %select_n3A : i32 to vector<240x240xi32>
    %add3A_45 = arith.addi %rem3A_34, %add3A_44 : vector<240x240xi32>
    %select_n3A_46 = arith.select %and3A, %add3A_45, %rem3A_34 : vector<240x240xi1>, vector<240x240xi32>
    %iota3A_47 = tpu.iota {dimensions = array<i32: 1>} : vector<240x240xi32>
    %jit3A_48 = arith.constant 80 : i32
    %eq3A_49 = arith.constant 0 : i32
    %eq3A_50 = arith.cmpi eq, %jit3A_48, %eq3A_49 : i32
    %jit3A_51 = arith.constant 1 : i32
    %select_n3A_52 = arith.select %eq3A_50, %jit3A_51, %jit3A_48 : i32
    %rem3A_53 = vector.broadcast %select_n3A_52 : i32 to vector<240x240xi32>
    %rem3A_54 = arith.remsi %iota3A_47, %rem3A_53 : vector<240x240xi32>
    %ne3A_55 = arith.constant 0 : i32
    %ne3A_56 = vector.broadcast %ne3A_55 : i32 to vector<240x240xi32>
    %ne3A_57 = arith.cmpi ne, %rem3A_54, %ne3A_56 : vector<240x240xi32>
    %lt3A_58 = arith.constant 0 : i32
    %lt3A_59 = vector.broadcast %lt3A_58 : i32 to vector<240x240xi32>
    %lt3A_60 = arith.cmpi slt, %rem3A_54, %lt3A_59 : vector<240x240xi32>
    %lt3A_61 = arith.constant 0 : i32
    %lt3A_62 = arith.cmpi slt, %select_n3A_52, %lt3A_61 : i32
    %ne3A_63 = vector.broadcast %lt3A_62 : i1 to vector<240x240xi1>
    %ne3A_64 = vector.broadcast %ne3A_63 : vector<240x240xi1> to vector<240x240xi1>
    %ne3A_65 = arith.xori %lt3A_60, %ne3A_64 : vector<240x240xi1>
    %and3A_66 = arith.andi %ne3A_65, %ne3A_57 : vector<240x240xi1>
    %add3A_67 = vector.broadcast %select_n3A_52 : i32 to vector<240x240xi32>
    %add3A_68 = arith.addi %rem3A_54, %add3A_67 : vector<240x240xi32>
    %select_n3A_69 = arith.select %and3A_66, %add3A_68, %rem3A_54 : vector<240x240xi1>, vector<240x240xi32>
    %gt3A = arith.constant 0.000000e+00 : f32
    %gt3A_70 = vector.broadcast %gt3A : f32 to vector<240x240xf32>
    %gt3A_71 = arith.cmpf ogt, %dot_general3A_29, %gt3A_70 : vector<240x240xf32>
    %lt3A_72 = arith.cmpi slt, %select_n3A_69, %select_n3A_46 : vector<240x240xi32>
    %and3A_73 = arith.andi %gt3A_71, %lt3A_72 : vector<240x240xi1>
    %convert_element_type3A_74 = arith.extui %and3A_73 : vector<240x240xi1> to vector<240x240xi32>
    %convert_element_type3A_75 = arith.sitofp %convert_element_type3A_74 : vector<240x240xi32> to vector<240x240xf32>
    %reduce_max3A = arith.constant dense<0xFF800000> : vector<240xf32>
    %reduce_max3A_76 = vector.multi_reduction <maximumf>, %convert_element_type3A_75, %reduce_max3A [1] : vector<240x240xf32> to vector<240xf32>
    %broadcast_in_dim3A = vector.shape_cast %reduce_max3A_76 : vector<240xf32> to vector<240x1xf32>
    %sub3A = arith.constant 1.000000e+00 : f32
    %sub3A_77 = vector.broadcast %sub3A : f32 to vector<240x1xf32>
    %sub3A_78 = arith.subf %sub3A_77, %broadcast_in_dim3A : vector<240x1xf32>
    %div3A = arith.constant 3.000000e+00 : f32
    %div3A_79 = vector.broadcast %div3A : f32 to vector<240x1xf32>
    %div3A_80 = arith.divf %floor3A_22, %div3A_79 : vector<240x1xf32>
    %sub3A_81 = arith.subf %slice3A, %div3A_80 : vector<240x1xf32>
    %mul3A_82 = arith.constant 3.000000e+00 : f32
    %mul3A_83 = vector.broadcast %mul3A_82 : f32 to vector<240x1xf32>
    %mul3A_84 = arith.mulf %sub3A_81, %mul3A_83 : vector<240x1xf32>
    %div3A_85 = arith.constant 5.200000e+01 : f32
    %div3A_86 = vector.broadcast %div3A_85 : f32 to vector<240x1xf32>
    %div3A_87 = arith.divf %floor3A, %div3A_86 : vector<240x1xf32>
    %sub3A_88 = arith.subf %slice3A_11, %div3A_87 : vector<240x1xf32>
    %mul3A_89 = arith.constant 5.200000e+01 : f32
    %mul3A_90 = vector.broadcast %mul3A_89 : f32 to vector<240x1xf32>
    %mul3A_91 = arith.mulf %sub3A_88, %mul3A_90 : vector<240x1xf32>
    %div3A_92 = arith.divf %slice3A_12, %slice3A_14 : vector<240x1xf32>
    %div3A_93 = arith.divf %slice3A_13, %slice3A_15 : vector<240x1xf32>
    %iota3A_94 = tpu.iota {dimensions = array<i32: 1>} : vector<240x128xi32>
    %eq3A_95 = arith.constant 0 : i32
    %eq3A_96 = vector.broadcast %eq3A_95 : i32 to vector<240x128xi32>
    %eq3A_97 = arith.cmpi eq, %iota3A_94, %eq3A_96 : vector<240x128xi32>
    %jit3A_98 = arith.constant 0.000000e+00 : f32
    %broadcast_in_dim3A_99 = vector.broadcast %jit3A_98 : f32 to vector<240x128xf32>
    %select_n3A_100 = arith.select %eq3A_97, %get3A_1, %broadcast_in_dim3A_99 : vector<240x128xi1>, vector<240x128xf32>
    %reduce_sum3A = arith.constant dense<0.000000e+00> : vector<240xf32>
    %reduce_sum3A_101 = vector.multi_reduction <add>, %select_n3A_100, %reduce_sum3A [1] : vector<240x128xf32> to vector<240xf32>
    %broadcast_in_dim3A_102 = vector.shape_cast %reduce_sum3A_101 : vector<240xf32> to vector<240x1xf32>
    %neg3A = arith.constant 0.000000e+00 : f32
    %neg3A_103 = vector.broadcast %neg3A : f32 to vector<240x1xf32>
    %neg3A_104 = arith.subf %neg3A_103, %broadcast_in_dim3A_102 : vector<240x1xf32>
    %max3A = arith.constant 0.000000e+00 : f32
    %max3A_105 = vector.broadcast %max3A : f32 to vector<240x1xf32>
    %max3A_106 = arith.maximumf %neg3A_104, %max3A_105 : vector<240x1xf32>
    %abs3A = math.absf %neg3A_104 : vector<240x1xf32>
    %neg3A_107 = arith.constant 0.000000e+00 : f32
    %neg3A_108 = vector.broadcast %neg3A_107 : f32 to vector<240x1xf32>
    %neg3A_109 = arith.subf %neg3A_108, %abs3A : vector<240x1xf32>
    %exp3A = math.exp %neg3A_109 : vector<240x1xf32>
    %log1p3A = math.log1p %exp3A : vector<240x1xf32>
    %add3A_110 = arith.addf %max3A_106, %log1p3A : vector<240x1xf32>
    %eq3A_111 = arith.constant 1 : i32
    %eq3A_112 = vector.broadcast %eq3A_111 : i32 to vector<240x128xi32>
    %eq3A_113 = arith.cmpi eq, %iota3A_94, %eq3A_112 : vector<240x128xi32>
    %jit3A_114 = arith.constant 0.000000e+00 : f32
    %broadcast_in_dim3A_115 = vector.shape_cast %mul3A_84 : vector<240x1xf32> to vector<240x1xf32>
    %broadcast_in_dim3A_116 = vector.broadcast %broadcast_in_dim3A_115 : vector<240x1xf32> to vector<240x128xf32>
    %broadcast_in_dim3A_117 = vector.broadcast %jit3A_114 : f32 to vector<240x128xf32>
    %select_n3A_118 = arith.select %eq3A_113, %broadcast_in_dim3A_116, %broadcast_in_dim3A_117 : vector<240x128xi1>, vector<240x128xf32>
    %eq3A_119 = arith.constant 2 : i32
    %eq3A_120 = vector.broadcast %eq3A_119 : i32 to vector<240x128xi32>
    %eq3A_121 = arith.cmpi eq, %iota3A_94, %eq3A_120 : vector<240x128xi32>
    %jit3A_122 = arith.constant 0.000000e+00 : f32
    %broadcast_in_dim3A_123 = vector.shape_cast %mul3A_91 : vector<240x1xf32> to vector<240x1xf32>
    %broadcast_in_dim3A_124 = vector.broadcast %broadcast_in_dim3A_123 : vector<240x1xf32> to vector<240x128xf32>
    %broadcast_in_dim3A_125 = vector.broadcast %jit3A_122 : f32 to vector<240x128xf32>
    %select_n3A_126 = arith.select %eq3A_121, %broadcast_in_dim3A_124, %broadcast_in_dim3A_125 : vector<240x128xi1>, vector<240x128xf32>
    %add3A_127 = arith.addf %select_n3A_118, %select_n3A_126 : vector<240x128xf32>
    %eq3A_128 = arith.constant 3 : i32
    %eq3A_129 = vector.broadcast %eq3A_128 : i32 to vector<240x128xi32>
    %eq3A_130 = arith.cmpi eq, %iota3A_94, %eq3A_129 : vector<240x128xi32>
    %jit3A_131 = arith.constant 0.000000e+00 : f32
    %broadcast_in_dim3A_132 = vector.shape_cast %div3A_92 : vector<240x1xf32> to vector<240x1xf32>
    %broadcast_in_dim3A_133 = vector.broadcast %broadcast_in_dim3A_132 : vector<240x1xf32> to vector<240x128xf32>
    %broadcast_in_dim3A_134 = vector.broadcast %jit3A_131 : f32 to vector<240x128xf32>
    %select_n3A_135 = arith.select %eq3A_130, %broadcast_in_dim3A_133, %broadcast_in_dim3A_134 : vector<240x128xi1>, vector<240x128xf32>
    %add3A_136 = arith.addf %add3A_127, %select_n3A_135 : vector<240x128xf32>
    %eq3A_137 = arith.constant 4 : i32
    %eq3A_138 = vector.broadcast %eq3A_137 : i32 to vector<240x128xi32>
    %eq3A_139 = arith.cmpi eq, %iota3A_94, %eq3A_138 : vector<240x128xi32>
    %jit3A_140 = arith.constant 0.000000e+00 : f32
    %broadcast_in_dim3A_141 = vector.shape_cast %div3A_93 : vector<240x1xf32> to vector<240x1xf32>
    %broadcast_in_dim3A_142 = vector.broadcast %broadcast_in_dim3A_141 : vector<240x1xf32> to vector<240x128xf32>
    %broadcast_in_dim3A_143 = vector.broadcast %jit3A_140 : f32 to vector<240x128xf32>
    %select_n3A_144 = arith.select %eq3A_139, %broadcast_in_dim3A_142, %broadcast_in_dim3A_143 : vector<240x128xi1>, vector<240x128xf32>
    %add3A_145 = arith.addf %add3A_136, %select_n3A_144 : vector<240x128xf32>
    %ge3A = arith.constant 1 : i32
    %ge3A_146 = vector.broadcast %ge3A : i32 to vector<240x128xi32>
    %ge3A_147 = arith.cmpi sge, %iota3A_94, %ge3A_146 : vector<240x128xi32>
    %le3A = arith.constant 4 : i32
    %le3A_148 = vector.broadcast %le3A : i32 to vector<240x128xi32>
    %le3A_149 = arith.cmpi sle, %iota3A_94, %le3A_148 : vector<240x128xi32>
    %and3A_150 = arith.andi %ge3A_147, %le3A_149 : vector<240x128xi1>
    %sub3A_151 = arith.subf %get3A_1, %add3A_145 : vector<240x128xf32>
    %integer_pow3A = arith.mulf %sub3A_151, %sub3A_151 : vector<240x128xf32>
    %jit3A_152 = arith.constant 0.000000e+00 : f32
    %broadcast_in_dim3A_153 = vector.broadcast %jit3A_152 : f32 to vector<240x128xf32>
    %select_n3A_154 = arith.select %and3A_150, %integer_pow3A, %broadcast_in_dim3A_153 : vector<240x128xi1>, vector<240x128xf32>
    %reduce_sum3A_155 = arith.constant dense<0.000000e+00> : vector<240xf32>
    %reduce_sum3A_156 = vector.multi_reduction <add>, %select_n3A_154, %reduce_sum3A_155 [1] : vector<240x128xf32> to vector<240xf32>
    %broadcast_in_dim3A_157 = vector.shape_cast %reduce_sum3A_156 : vector<240xf32> to vector<240x1xf32>
    %mul3A_158 = arith.constant 2.500000e-01 : f32
    %mul3A_159 = vector.broadcast %mul3A_158 : f32 to vector<240x1xf32>
    %mul3A_160 = arith.mulf %broadcast_in_dim3A_157, %mul3A_159 : vector<240x1xf32>
    %ge3A_161 = arith.constant 5 : i32
    %ge3A_162 = vector.broadcast %ge3A_161 : i32 to vector<240x128xi32>
    %ge3A_163 = arith.cmpi sge, %iota3A_94, %ge3A_162 : vector<240x128xi32>
    %lt3A_164 = arith.constant 85 : i32
    %lt3A_165 = vector.broadcast %lt3A_164 : i32 to vector<240x128xi32>
    %lt3A_166 = arith.cmpi slt, %iota3A_94, %lt3A_165 : vector<240x128xi32>
    %and3A_167 = arith.andi %ge3A_163, %lt3A_166 : vector<240x128xi1>
    %jit3A_168 = arith.constant -1.000000e+30 : f32
    %broadcast_in_dim3A_169 = vector.broadcast %jit3A_168 : f32 to vector<240x128xf32>
    %select_n3A_170 = arith.select %and3A_167, %get3A_1, %broadcast_in_dim3A_169 : vector<240x128xi1>, vector<240x128xf32>
    %reduce_max3A_171 = arith.constant dense<0xFF800000> : vector<240xf32>
    %reduce_max3A_172 = vector.multi_reduction <maximumf>, %select_n3A_170, %reduce_max3A_171 [1] : vector<240x128xf32> to vector<240xf32>
    %broadcast_in_dim3A_173 = vector.shape_cast %reduce_max3A_172 : vector<240xf32> to vector<240x1xf32>
    %sub3A_174 = vector.broadcast %broadcast_in_dim3A_173 : vector<240x1xf32> to vector<240x128xf32>
    %sub3A_175 = arith.subf %get3A_1, %sub3A_174 : vector<240x128xf32>
    %exp3A_176 = math.exp %sub3A_175 : vector<240x128xf32>
    %jit3A_177 = arith.constant 0.000000e+00 : f32
    %broadcast_in_dim3A_178 = vector.broadcast %jit3A_177 : f32 to vector<240x128xf32>
    %select_n3A_179 = arith.select %and3A_167, %exp3A_176, %broadcast_in_dim3A_178 : vector<240x128xi1>, vector<240x128xf32>
    %reduce_sum3A_180 = arith.constant dense<0.000000e+00> : vector<240xf32>
    %reduce_sum3A_181 = vector.multi_reduction <add>, %select_n3A_179, %reduce_sum3A_180 [1] : vector<240x128xf32> to vector<240xf32>
    %broadcast_in_dim3A_182 = vector.shape_cast %reduce_sum3A_181 : vector<240xf32> to vector<240x1xf32>
    %log3A = math.log %broadcast_in_dim3A_182 : vector<240x1xf32>
    %add3A_183 = arith.addf %broadcast_in_dim3A_173, %log3A : vector<240x1xf32>
    %convert_element_type3A_184 = arith.fptosi %slice3A_16 : vector<240x1xf32> to vector<240x1xi32>
    %add3A_185 = arith.constant 5 : i32
    %add3A_186 = vector.broadcast %add3A_185 : i32 to vector<240x1xi32>
    %add3A_187 = arith.addi %convert_element_type3A_184, %add3A_186 : vector<240x1xi32>
    %eq3A_188 = vector.broadcast %add3A_187 : vector<240x1xi32> to vector<240x128xi32>
    %eq3A_189 = arith.cmpi eq, %iota3A_94, %eq3A_188 : vector<240x128xi32>
    %jit3A_190 = arith.constant 0.000000e+00 : f32
    %broadcast_in_dim3A_191 = vector.broadcast %jit3A_190 : f32 to vector<240x128xf32>
    %select_n3A_192 = arith.select %eq3A_189, %get3A_1, %broadcast_in_dim3A_191 : vector<240x128xi1>, vector<240x128xf32>
    %reduce_sum3A_193 = arith.constant dense<0.000000e+00> : vector<240xf32>
    %reduce_sum3A_194 = vector.multi_reduction <add>, %select_n3A_192, %reduce_sum3A_193 [1] : vector<240x128xf32> to vector<240xf32>
    %broadcast_in_dim3A_195 = vector.shape_cast %reduce_sum3A_194 : vector<240xf32> to vector<240x1xf32>
    %sub3A_196 = arith.subf %add3A_183, %broadcast_in_dim3A_195 : vector<240x1xf32>
    %mul3A_197 = vector.broadcast %get3A_6 : f32 to vector<240x1xf32>
    %mul3A_198 = arith.mulf %mul3A_197, %add3A_110 : vector<240x1xf32>
    %mul3A_199 = vector.broadcast %get3A_8 : f32 to vector<240x1xf32>
    %mul3A_200 = arith.mulf %mul3A_199, %mul3A_160 : vector<240x1xf32>
    %add3A_201 = arith.addf %mul3A_198, %mul3A_200 : vector<240x1xf32>
    %mul3A_202 = vector.broadcast %get3A_10 : f32 to vector<240x1xf32>
    %mul3A_203 = arith.mulf %mul3A_202, %sub3A_196 : vector<240x1xf32>
    %add3A_204 = arith.addf %add3A_201, %mul3A_203 : vector<240x1xf32>
    %mul3A_205 = arith.mulf %sub3A_78, %add3A_204 : vector<240x1xf32>
    %reduce_sum3A_206 = vector.shape_cast %mul3A_205 : vector<240x1xf32> to vector<1x240x1xf32>
    %reduce_sum3A_207 = arith.constant dense<0.000000e+00> : vector<1xf32>
    %reduce_sum3A_208 = vector.multi_reduction <add>, %reduce_sum3A_206, %reduce_sum3A_207 [1, 2] : vector<1x240x1xf32> to vector<1xf32>
    %reduce_sum3A_209 = vector.shape_cast %reduce_sum3A_208 : vector<1xf32> to vector<1x1x1xf32>
    %reduce_sum3A_210 = vector.extract %reduce_sum3A_209[0, 0, 0] : f32 from vector<1x1x1xf32>
    %swap3A = arith.constant 0 : index
    %swap3A_211 = arith.constant 0 : index
    %swap3A_212 = memref.load %arg3[%swap3A, %swap3A_211] : memref<1x1xf32, #tpu.memory_space<smem>>
    memref.store %reduce_sum3A_210, %arg3[%swap3A, %swap3A_211] : memref<1x1xf32, #tpu.memory_space<smem>>
    return
  }
}

</mosaic_0001>

<sc_bundles>
// kernel: kernel.4.cloned.1.call-start
scs
__scs_entry_jumppad:
0x0: {  	(pc) =	sbr.rel $0x88, $3  }
0x1: {  	(tag) =	ssettag $0x0;
	lr =	simm.s32 $0x1  }
0x2: {  	[smem:$0x3F9A] =	sst lr;
	_ =	strace $0xD0000000  }
0x3: {  	_ = 	snop  }
0x4: {  	_ = 	snop  }
0x5: {  	_ = 	snop  }
0x6: {  	_ = 	snop  }
0x7: {  	_ = 	snop  }
__scs_overlays_trampoline_lowered:
0x8: {  	[smem:$0x3FA9] =	sst s0  }
0x9: {  	[smem:$0x3FAA] =	sst s1  }
0xa: {  	[smem:$0x3FAB] =	sst s2  }
0xb: {  	[smem:$0x3FAC] =	sst s3  }
0xc: {  	[smem:$0x3FAD] =	sst s4  }
0xd: {  	[smem:$0x3FAE] =	sst s5  }
0xe: {  	[smem:$0x3FAF] =	sst s6  }
0xf: {  	[smem:$0x3FB0] =	sst s7  }
0x10: {  	[smem:$0x3FB1] =	sst s8  }
0x11: {  	[smem:$0x3FB2] =	sst s9;
	s0 =	simm.s32 @!p0 $0x0  }
0x12: {  	s1 =	sld [smem:$0x3F98];
	s0 =	simm.s32 @p0 $0x1  }
0x13: {  	[smem:$0x3FB3] =	sst s0;
	s0 =	simm.s32 @!p1 $0x0  }
0x14: {  	s2 =	sld [smem:$0x3F97];
	s0 =	simm.s32 @p1 $0x1  }
0x15: {  	[smem:$0x3FB4] =	sst s0;
	s0 =	simm.s32 @!p2 $0x0  }
0x16: {  	s3 =	sld [smem:$0x3FDB];
	s0 =	simm.s32 @p2 $0x1  }
0x17: {  	s4 =	simm.s32 $0x1BF5;
	[smem:$0x3FB6] =	sst s0  }
0x18: {  	s0 =	sld [smem:$0x3F99];
	_ =	swait.ge [sflag:s4], $0x0  }
0x19: {  	s7 =	sld [smem:$0x3F9A]  }
0x1a: {  	s8 =	sadd.s32 $0xFFFFE003, lr  }
0x1b: {  	s9 =	sadd.s32 $0xFFFFFEF7, lr;
	s5 =	simm.s32 $0xFFFFFFFF;
	p2 =	slt.u32 s8, $0xFFFFF086  }
0x1c: {  	p1 =	slt.u32 s9, $0xF7A;
	s5 =	simm.s32 @!p2 $0x0  }
0x1d: {  	s5 =	simm.s32 @p1 $0x1;
	p0 =	seq.s32 s7, s2  }
0x1e: {  	s7 =	smul.u32 @!p0 $0xF7A, s2;
	p2 =	seq.s32 @!p0 s5, $0x0  }
0x1f: {  	s9 =	smul.u32 $0xF7A, s1;
	s8 =	simm.s32 @!p0 $0x1BF5;
	p2 =	por !p2, p0  }
0x20: {  	[sflag:s8] =	ssyncset.s32 @!p0 $0xFFFFF086;
	s6 =	sadd.s32 @!p0 s3, s7;
	s7 =	simm.s32 @!p0 $0x108  }
0x21: {  	s3 =	sadd.s32 s3, s9;
	s6 =	sadd.s32 @!p0 $0x88, s6;
	s7 =	simm.s32 @p2 $0x1082  }
0x22: {  	[simem:s7], [sflag:s8] =	dma.local @!p0 [hbm:s6], $0xF7A  }
0x23: {  	s9 =	sor.u32 $0xD0000000, s2;
	s6 =	simm.s32 $0x108;
	_ =	swait.ge @!p0 [sflag:s8], $0x0  }
0x24: {  	s3 =	sadd.s32 $0x88, s3;
	s6 =	simm.s32 @!p1 $0x1082;
	[sflag:s4] =	ssyncset.s32 $0xFFFFF086  }
0x25: {  	[simem:s6], [sflag:s4] =	dma.local [hbm:s3], $0xF7A  }
0x26: {  	[smem:$0x3F9A] =	sst s1;
	(tag) =	ssettag s2;
	_ =	strace s9  }
0x27: {  	s1 =	sld [smem:$0x3FAA]  }
0x28: {  	s2 =	sld [smem:$0x3FAB]  }
0x29: {  	s4 =	sld [smem:$0x3FAD]  }
0x2a: {  	p0 =	seq.s32 s5, $0x0;
	s5 =	sld [smem:$0x3FAE]  }
0x2b: {  	s6 =	sld [smem:$0x3FAF]  }
0x2c: {  	s7 =	sld [smem:$0x3FB0]  }
0x2d: {  	s3 =	simm.s32 $0x108;
	s8 =	sld [smem:$0x3FB1]  }
0x2e: {  	s3 =	simm.s32 @!p0 $0x1082;
	s9 =	sld [smem:$0x3FB2]  }
0x2f: {  	lr =	sadd.s32 s0, s3;
	s0 =	sld [smem:$0x3FA9]  }
0x30: {  	s3 =	sld [smem:$0x3FAC]  }
0x31: {  	[smem:$0x3FB5] =	sst s10  }
0x32: {  	s10 =	sld [smem:$0x3FB3];
	_ =	sdelay $0x3  }
0x33: {  	p0 =	seq.s32 s10, $0x1;
	s10 =	sld [smem:$0x3FB5];
	_ =	sdelay $0x3  }
0x34: {  	[smem:$0x3FB5] =	sst s10  }
0x35: {  	s10 =	sld [smem:$0x3FB4];
	_ =	sdelay $0x3  }
0x36: {  	p1 =	seq.s32 s10, $0x1;
	s10 =	sld [smem:$0x3FB5];
	_ =	sdelay $0x3  }
0x37: {  	[smem:$0x3FB5] =	sst s10  }
0x38: {  	s10 =	sld [smem:$0x3FB6]  }
0x39: {  	_ = 	snop;
	(pc) =	sbr.ind lr, $3  }
0x3a: {  	_ = 	snop  }
0x3b: {  	_ = 	snop  }
0x3c: {  	p2 =	seq.s32 s10, $0x1;
	s10 =	sld [smem:$0x3FB5]  }
0x3d: {  	_ =	shalt  }
0x3e: {  	_ =	shalt  }
0x3f: {  	_ =	shalt  }
0x40: {  	_ =	shalt  }
0x41: {  	_ =	shalt  }
0x42: {  	_ =	shalt  }
0x43: {  	_ =	shalt  }
0x44: {  	_ =	shalt  }
0x45: {  	_ =	shalt  }
0x46: {  	_ =	shalt  }
0x47: {  	_ =	shalt  }
0x48: {  	_ =	shalt  }
0x49: {  	_ =	shalt  }
0x4a: {  	_ =	shalt  }
0x4b: {  	_ =	shalt  }
0x4c: {  	_ =	shalt  }
0x4d: {  	_ =	shalt  }
0x4e: {  	_ =	shalt  }
0x4f: {  	_ =	shalt  }
0x50: {  	_ =	shalt  }
0x51: {  	_ =	shalt  }
0x52: {  	_ =	shalt  }
0x53: {  	_ =	shalt  }
0x54: {  	_ =	shalt  }
0x55: {  	_ =	shalt  }
0x56: {  	_ =	shalt  }
0x57: {  	_ =	shalt  }
0x58: {  	_ =	shalt  }
0x59: {  	_ =	shalt  }
0x5a: {  	_ =	shalt  }
0x5b: {  	_ =	shalt  }
0x5c: {  	_ =	shalt  }
0x5d: {  	_ =	shalt  }
0x5e: {  	_ =	shalt  }
0x5f: {  	_ =	shalt  }
0x60: {  	_ =	shalt  }
0x61: {  	_ =	shalt  }
0x62: {  	_ =	shalt  }
0x63: {  	_ =	shalt  }
0x64: {  	_ =	shalt  }
0x65: {  	_ =	shalt  }
0x66: {  	_ =	shalt  }
0x67: {  	_ =	shalt  }
0x68: {  	_ =	shalt  }
0x69: {  	_ =	shalt  }
0x6a: {  	_ =	shalt  }
0x6b: {  	_ =	shalt  }
0x6c: {  	_ =	shalt  }
0x6d: {  	_ =	shalt  }
0x6e: {  	_ =	shalt  }
0x6f: {  	_ =	shalt  }
0x70: {  	_ =	shalt  }
0x71: {  	_ =	shalt  }
0x72: {  	_ =	shalt  }
0x73: {  	_ =	shalt  }
0x74: {  	_ =	shalt  }
0x75: {  	_ =	shalt  }
0x76: {  	_ =	shalt  }
0x77: {  	_ =	shalt  }
0x78: {  	_ =	shalt  }
0x79: {  	_ =	shalt  }
0x7a: {  	_ =	shalt  }
0x7b: {  	_ =	shalt  }
0x7c: {  	_ =	shalt  }
0x7d: {  	_ =	shalt  }
0x7e: {  	_ =	shalt  }
0x7f: {  	_ =	shalt  }
0x80: {  	_ =	shalt  }
0x81: {  	_ =	shalt  }
0x82: {  	_ =	shalt  }
0x83: {  	_ =	shalt  }
0x84: {  	_ =	shalt  }
0x85: {  	_ =	shalt  }
0x86: {  	_ =	shalt  }
0x87: {  	_ =	shalt  }
.Lfunc_end0:
.L_simem_size_0:
called_computation_lowered:
.L_overlay_start_0:
0x88: {  	s0 =	sld [smem:$0x3FD9]  }
0x89: {  	s1 =	sld [smem:$0x3FFE];
	_ =	sdelay $0x3  }
0x8a: {  	s0 =	sadd.s32 s1, s0  }
0x8b: {  	[smem:$0x3FC1] =	sst s0  }
0x8c: {  	_ = 	snop  }
0x8d: {  	(tm) =	ssettm $0x1  }
0x8e: {  	s15 =	sld [smem:$0x3FFB];
	_ =	sdelay $0x3  }
0x8f: {  	_ =	strace s15  }
0x90: {  	s0 =	sld [smem:$0x3FFC];
	_ =	sdelay $0x3  }
0x91: {  	_ =	strace s0  }
0x92: {  	s0 =	sld [smem:$0x3FFD];
	_ =	sdelay $0x3  }
0x93: {  	_ =	strace s0  }
0x94: {  	_ =	strace $0x8FFFFFFF  }
0x95: {  	s16 =	sld [smem:$0x3FDB];
	_ =	sdelay $0x1  }
0x96: {  	s17 =	simm.s32 $_scs_section_size  }
0x97: {  	s2 =	simm.s32 $_size__tile_overlayer_lowered;
	s3 =	simm.s32 $_tile_overlayer_lowered  }
0x98: {  	s20 =	simm.s32 $0x1BFF;
	s19 =	sshll.u32 s3, $0x1;
	s0 =	sadd.s32 s17, s16  }
0x99: {  	s4 =	simm.s32 $0x0;
	s18 =	sshll.u32 s2, $0x1;
	s2 =	sadd.s32 s19, s0  }
0x9a: {  	[timem:s4], [sflag:s20] =	dma.local [hbm:s2], s18  }
0x9b: {  	_ =	swait.ge [sflag:s20], s18  }
0x9c: {  	s1 =	ssub.s32 $0x0, s18;
	[sflag:s20] =	ssyncset.done $0x0  }
0x9d: {  	[sflag:s20] =	ssyncadd.s32 s1;
	_ =	sdelay $0x1  }
0x9e: {  	s21 =	simm.s32 $0x1B8B  }
0x9f: {  	_ =	swait.ge [sflag:s21], $0x1  }
0xa0: {  	[sflag:s21] =	ssyncset.done $0x0  }
0xa1: {  	s23 =	simm.s32 $0x1B8E;
	s22 =	sld [smem:$0x3FFE];
	[sflag:s21] =	ssyncadd.s32 $0xFFFFFFFF  }
0xa2: {  	s24 =	simm.s32 $execute0_lowered;
	[smem:$0x3FD2] =	sst s23  }
0xa3: {  	s2 =	sshll.u32 s24, $0x1;
	_ =	strace $0x80000046;
	[dreg:$0x1] =	wrdreg $0xFFFFFFFF  }
0xa4: {  	s25 =	simm.s32 $_size_execute0_lowered;
	s0 =	sadd.s32 s0, s2;
	[dreg:$0x0] =	wrdreg $0x0  }
0xa5: {  	s2 =	sshll.u32 s25, $0x1;
	[dreg:$0x2] =	wrdreg s0  }
0xa6: {  	[dreg:$0x3] =	wrdreg s2  }
0xa7: {  	[dreg:$0x4] =	wrdreg $0xC0  }
0xa8: {  	_ =	task [dreg:s4], $0x5FFFF  }
0xa9: {  	[dreg:$0x1] =	wrdreg $0xFFFFFFFF  }
0xaa: {  	[dreg:$0x0] =	wrdreg $0x60  }
0xab: {  	[dreg:$0x2] =	wrdreg s22  }
0xac: {  	[dreg:$0x3] =	wrdreg $0x9  }
0xad: {  	_ =	task.clear_ibuf [dreg:s4], $0x4FFFF;
	_ =	strace $0x90000046  }
0xae: {  	s26 =	simm.s32 $0x9;
	_ =	strace $0x80000048  }
0xaf: {  	_ =	swait.ge [sflag:s26], $0x1  }
0xb0: {  	[sflag:s26] =	ssyncadd.s32 $0xFFFFFFFF  }
0xb1: {  	_ =	strace $0x90000048  }
0xb2: {  	_ =	sfence  }
0xb3: {  	s28 =	sld [smem:$0x0];
	_ =	sdelay $0x1  }
0xb4: {  	s29 =	srdreg.scid  }
0xb5: {  	s30 =	sshll.u32 s29, $0xD;
	s31 =	sshrl.u32 s29, $0x2  }
0xb6: {  	s1 =	sand.u32 $0x1, s29;
	s2 =	sand.u32 $0x4000, s30;
	s0 =	sadd.s32 s31, s28  }
0xb7: {  	s1 =	sor.u32 s2, s1;
	s0 =	sshll.u32 s0, $0x11  }
0xb8: {  	s0 =	sor.u32 s0, s1  }
0xb9: {  	s0 =	sadd.s32 $0x8F2B, s0  }
0xba: {  	[sflag:s0] =	ssyncadd.remote.s32 $0x1  }
0xbb: {  	_ =	sfence.sel $0xFFFF  }
0xbc: {  	[dreg:$0x0] =	wrdreg $0xFFFFFFFF;
	(pc) =	sbr.abs _section_cstart, $3  }
0xbd: {  	[dreg:$0x1] =	wrdreg $0xFFFFFFFF  }
0xbe: {  	_ =	task.clear_ibuf [dreg:s4], $0x2FFFF;
	_ =	strace $0x9FFFFFFF  }
0xbf: {  	(tm) =	ssettm $0x7FFFFFFF  }
tec
execute0_lowered:
.L_overlay_start_1:
0x0: {  	(tag) =	ssettag $0x1  }
0x1: {  	s0 =	rddreg [dreg:$0x0];
	s1 =	stileid.u32  }
0x2: {  	s2 =	rddreg [dreg:$0x1];
	s3 =	simm.s32 $0x0;
	p0 =	seq.s32 s1, $0xF  }
0x3: {  	[smem:$0x7FF] =	sst s3;
	s3 =	sadd.s32 $0xF200, s0;
	s4 =	sshll.u32 @!p0 s1, $0x7  }
0x4: {  	_ =	strace $0x80000047;
	s3 =	sadd.s32 @!p0 s3, s4;
	s4 =	simm.s32 @!p0 $0x0  }
0x5: {  	[tilespmem:s4], [sflag:$0x2] =	stream.linear.gather @!p0 [hbm4b:s3+s4], $0x400, $0x38;
	[tilespmem:$0xC80] =	vst v63  }
0x6: {  	s3 =	simm.s32 @!p0 $0x2  }
0x7: {  	_ =	swait.ge @!p0 [sflag:s3], $0x400  }
0x8: {  	[sflag:s3] =	ssyncset.done @!p0 $0x0  }
0x9: {  	[sflag:s3] =	ssyncadd.s32 @!p0 $0xFFFFFC00  }
0xa: {  	v0 =	vld @!p0 [tilespmem:$0x80]  }
0xb: {  	v1 =	vld @!p0 [tilespmem:$0x0]  }
0xc: {  	v2 =	vld @!p0 [tilespmem:$0x100];
	_ =	sdelay $0x2  }
0xd: {  	v0 =	vmul.f32 @!p0 $5.200000000e+01, v0  }
0xe: {  	v1 =	vmul.f32 @!p0 $3.000000000e+00, v1  }
0xf: {  	v2 =	vtrunc.f32 @!p0 v2;
	v0 =	vtrunc.f32 @!p0 v0  }
0x10: {  	v1 =	vtrunc.f32 @!p0 v1;
	v0 =	vcvt.f32.s32 @!p0 v0  }
0x11: {  	v2 =	vcvt.f32.s32 @!p0 v2;
	v1 =	vcvt.f32.s32 @!p0 v1  }
0x12: {  	v0 =	vmul.u32 @!p0 $0x3, v0  }
0x13: {  	v1 =	vadd.s32 @!p0 v1, v2  }
0x14: {  	s5 =	sadd.s32 $0x800, s0;
	v0 =	vadd.s32 @!p0 v0, v1  }
0x15: {  	s6 =	simm.s32 @!p0 $0x10;
	s7 =	simm.s32 @!p0 $0x400;
	s8 =	simm.s32 @!p0 $0x480;
	[tilespmem:$0x400] =	vst @!p0 v0  }
0x16: {  	[tilespmem:s8], [sflag:$0x1] =	stream.indirect.gather @!p0 [hbm4b:s5+s6], $0x80, s7, s6, $0xb8;
	[tilespmem:$0xC80] =	vst v63  }
0x17: {  	s5 =	simm.s32 @!p0 $0x1  }
0x18: {  	_ =	swait.ge @!p0 [sflag:s5], $0x800  }
0x19: {  	s0 =	sadd.s32 $0xFA00, s0;
	s6 =	sshll.u32 @!p0 s1, $0x8;
	[sflag:s5] =	ssyncset.done @!p0 $0x0  }
0x1a: {  	s0 =	sadd.s32 @!p0 s0, s6;
	[sflag:s5] =	ssyncadd.s32 @!p0 $0xFFFFF800  }
0x1b: {  	[hbm4b:s0+s4] =	stream.linear.scatter @!p0 [tilespmem:s8], [sflag:$0x2], $0x800, $0x38;
	[tilespmem:$0xC80] =	vst v63  }
0x1c: {  	_ =	swait.ge @!p0 [sflag:s3], $0x800  }
0x1d: {  	[sflag:s3] =	ssyncset.done @!p0 $0x0  }
0x1e: {  	[sflag:s3] =	ssyncadd.s32 @!p0 $0xFFFFF800  }
0x1f: {  	_ =	sfence.sel $0x180000  }
0x20: {  	[bflag:$0x0] =	sbarrier.arrive $0xFFFF  }
0x21: {  	p0 =	sne.s32 s1, $0x0;
	_ =	strace $0x90000047  }
0x22: {  	s0 =	sadd.s32 @!p0 $0x100000, s2;
	[bflag:$0x2] =	sbarrier.arrive $0xFFFF  }
0x23: {  	[sflag:s0] =	ssyncadd.tile.s32 @!p0 $0x1;
	_ =	shalt  }
.Lfunc_end2:
_tile_overlayer_lowered:
.L_overlay_start_2:
0x24: {  	(tag) =	ssettag $0x2  }
0x25: {  	s0 =	rddreg [dreg:$0x0];
	s2 =	stileid.u32  }
0x26: {  	s1 =	rddreg [dreg:$0x1];
	p0 =	sne.s32 s2, $0x0  }
0x27: {  	s3 =	rddreg [dreg:$0x2];
	[bflag:$0x3] =	sbarrier.arrive $0xFFFF;
	s2 =	simm.s32 @!p0 $0x1C02  }
0x28: {  	[timem:s3], [sflag:s2] =	dma.local @!p0 [hbm:s0], s1  }
0x29: {  	s0 =	simm.s32 @!p0 $0x2  }
0x2a: {  	_ =	swait.ge @!p0 [sflag:s0], s1  }
0x2b: {  	s1 =	ssub.s32 @!p0 $0x0, s1;
	[sflag:s0] =	ssyncset.done @!p0 $0x0  }
0x2c: {  	[sflag:s0] =	ssyncadd.s32 @!p0 s1  }
0x2d: {  	[bflag:$0x3] =	sbarrier.arrive $0xFFFF  }
0x2e: {  	_ =	shalt  }

</sc_bundles>
